<compile_context>
chip_gen: v7x
topology: tpu7x:2x2x1
jax: 0.10.2.dev20260603
libtpu: 0.0.44.dev20260713+nightly
codegen_flags: <defaults>
</compile_context>

<pallas_src>
import functools

import jax
import jax.numpy as jnp
from jax import lax
from jax.experimental import pallas as pl
from jax.experimental.pallas import tpu as pltpu
from jax.experimental.pallas import tpu_sc as plsc

IN_DIM = 128
OUT_DIM = 128
NUM_RELS = 8
NUM_BASES = 4
N_NODES = 10000
N_EDGES = 320000

NUM_CORES = 2
NUM_SUBCORES = 16
NW = NUM_CORES * NUM_SUBCORES
K = 128
CHUNKS = -(-N_EDGES // (NW * K))
PER_W = CHUNKS * K
E_PAD = NW * PER_W
N_ACC = 10112
RPS = N_ACC // NUM_SUBCORES


def _comb_body(wc_ref, wf_ref, out_ref):
    out_ref[...] = jnp.dot(wc_ref[...], wf_ref[...],
                           preferred_element_type=jnp.float32)


def _combine(w_comp, wr_flat):
    return pl.pallas_call(
        _comb_body,
        out_shape=jax.ShapeDtypeStruct((NUM_RELS, IN_DIM * OUT_DIM),
                                       jnp.float32),
    )(w_comp, wr_flat)


def _mm_body(h_ref, w_ref, out_ref):
    out_ref[...] = jnp.dot(h_ref[...], w_ref[...],
                           preferred_element_type=jnp.float32)


def _matmul(h, w2):
    bm = 1000
    return pl.pallas_call(
        _mm_body,
        grid=(N_NODES // bm,),
        in_specs=[
            pl.BlockSpec((bm, IN_DIM), lambda i: (i, 0)),
            pl.BlockSpec((IN_DIM, NUM_RELS * OUT_DIM), lambda i: (0, 0)),
        ],
        out_specs=pl.BlockSpec((bm, NUM_RELS * OUT_DIM), lambda i: (i, 0)),
        out_shape=jax.ShapeDtypeStruct((N_NODES, NUM_RELS * OUT_DIM),
                                       jnp.float32),
    )(h, w2)


def _sc_body(hw_ref, src_ref, et_ref, dst_ref, zero_ref, out_ref,
             srcv, etv, dstv, idxv, rows, acc, sem):
    cid = lax.axis_index("c")
    sid = lax.axis_index("s")
    wid = cid * NUM_SUBCORES + sid

    pltpu.sync_copy(zero_ref.at[pl.ds(sid * RPS, RPS)],
                    acc.at[pl.ds(sid * RPS, RPS)])
    plsc.subcore_barrier()

    base = wid * PER_W

    def chunk(j, carry):
        off = base + j * K
        pltpu.sync_copy(src_ref.at[pl.ds(off, K)], srcv)
        pltpu.sync_copy(et_ref.at[pl.ds(off, K)], etv)
        pltpu.sync_copy(dst_ref.at[pl.ds(off, K)], dstv)
        for i in range(K // 16):
            s = pl.ds(i * 16, 16)
            idxv[s] = srcv[s] * NUM_RELS + etv[s]
        pltpu.async_copy(hw_ref.at[idxv], rows, sem).wait()
        pltpu.sync_copy(rows, acc.at[dstv], add=True)
        return carry

    lax.fori_loop(0, CHUNKS, chunk, 0)
    plsc.subcore_barrier()

    pltpu.sync_copy(acc.at[pl.ds(sid * RPS, RPS)],
                    out_ref.at[pl.ds(cid * N_ACC + sid * RPS, RPS)])


@functools.partial(
    pl.kernel,
    out_type=jax.ShapeDtypeStruct((NUM_CORES * N_ACC, OUT_DIM), jnp.float32),
    mesh=plsc.VectorSubcoreMesh(core_axis_name="c", subcore_axis_name="s"),
    scratch_types=[
        pltpu.VMEM((K,), jnp.int32),
        pltpu.VMEM((K,), jnp.int32),
        pltpu.VMEM((K,), jnp.int32),
        pltpu.VMEM((K,), jnp.int32),
        pltpu.VMEM((K, OUT_DIM), jnp.float32),
        pltpu.VMEM_SHARED((N_ACC, OUT_DIM), jnp.float32),
        pltpu.SemaphoreType.DMA,
    ],
)
def _sc_gather_scatter(hw_ref, src_ref, et_ref, dst_ref, zero_ref, out_ref,
                       srcv, etv, dstv, idxv, rows, acc, sem):
    _sc_body(hw_ref, src_ref, et_ref, dst_ref, zero_ref, out_ref,
             srcv, etv, dstv, idxv, rows, acc, sem)


def kernel(h, edge_index, edge_type, weight, w_comp):
    wr_flat = weight.reshape(IN_DIM, NUM_BASES, OUT_DIM)
    wr_flat = wr_flat.transpose(1, 0, 2).reshape(NUM_BASES, IN_DIM * OUT_DIM)
    wc_perm = _combine(w_comp.astype(jnp.float32), wr_flat)
    w_rel = wc_perm.reshape(NUM_RELS, IN_DIM, OUT_DIM).transpose(1, 0, 2)
    w_rel = w_rel.reshape(NUM_RELS, IN_DIM, OUT_DIM)
    w2 = w_rel.transpose(1, 0, 2).reshape(IN_DIM, NUM_RELS * OUT_DIM)

    hw = _matmul(h, w2).reshape(N_NODES * NUM_RELS, OUT_DIM)

    src = edge_index[0].astype(jnp.int32)
    dst = edge_index[1].astype(jnp.int32)
    et = edge_type.astype(jnp.int32)
    pad = E_PAD - N_EDGES
    src = jnp.concatenate([src, jnp.zeros((pad,), jnp.int32)])
    et = jnp.concatenate([et, jnp.zeros((pad,), jnp.int32)])
    dst = jnp.concatenate([dst, jnp.full((pad,), N_NODES, jnp.int32)])
    zeros = jnp.zeros((N_ACC, OUT_DIM), jnp.float32)

    parts = _sc_gather_scatter(hw, src, et, dst, zeros)
    parts = parts.reshape(NUM_CORES, N_ACC, OUT_DIM)
    return (parts[0] + parts[1])[:N_NODES]

# --- scband reference (transcript-rebuilt; emitter-appended) ---
"""Pipeline reference for scband-rgcnlayer-75677323755790 (READ-ONLY COPY).

The authoritative reference and input builder live on the scoring server;
editing this copy changes nothing except your own understanding.
"""

import jax, jax.numpy as jnp
import numpy as np

IN_DIM = 128
OUT_DIM = 128
NUM_RELS = 8
NUM_BASES = 4
N_NODES = 10000
N_EDGES = 320000


def setup_inputs(seed: int = 0) -> dict:
    key = jax.random.key(seed)
    k1, k2, k3, k4, k5 = jax.random.split(key, 5)
    h = jax.random.normal(k1, (N_NODES, IN_DIM), dtype=jnp.float32)
    edge_index = jax.random.randint(k2, (2, N_EDGES), 0, N_NODES, dtype=jnp.int64)
    edge_type = jax.random.randint(k3, (N_EDGES,), 0, NUM_RELS, dtype=jnp.int64)
    # xavier-uniform-ish init for basis weights and combination coefficients
    gain = float(np.sqrt(2.0))
    bound_w = gain * np.sqrt(6.0 / (IN_DIM + OUT_DIM))
    weight = jax.random.uniform(k4, (NUM_BASES, IN_DIM, OUT_DIM), dtype=jnp.float32, minval=-bound_w, maxval=bound_w)
    bound_c = gain * np.sqrt(6.0 / (NUM_RELS + NUM_BASES))
    w_comp = jax.random.uniform(k5, (NUM_RELS, NUM_BASES), dtype=jnp.float32, minval=-bound_c, maxval=bound_c)
    return {"h": h, "edge_index": edge_index, "edge_type": edge_type, "weight": weight, "w_comp": w_comp}


def reference(h, edge_index, edge_type, weight, w_comp):
    # Basis decomposition: num_bases < num_rels path from RGCNLayer.forward
    # weight: [num_bases, in_dim, out_dim] -> view as [in_dim, num_bases, out_dim]
    w = jnp.reshape(weight, (IN_DIM, NUM_BASES, OUT_DIM))
    # torch.matmul(w_comp [R, B], w [in_dim, B, O]) broadcasts -> [in_dim, R, O]
    w = jnp.matmul(w_comp, w)
    # .view(num_rels, in_dim, out_dim)
    W = jnp.reshape(w, (NUM_RELS, IN_DIM, OUT_DIM))
    src = edge_index[0]
    dst = edge_index[1]
    # message_func (is_input_layer=False): msg_e = h[src_e] @ W[etype_e]
    # equivalent formulation: precompute per-node per-relation transform, then gather
    hw = jnp.einsum('nd,rdo->nro', h, W)  # [N, R, O]
    msg = hw[src, edge_type]               # [E, O]
    # fn.sum(msg='msg', out='h'): scatter-add messages into destination nodes
    h_out = jax.ops.segment_sum(msg, dst, num_segments=N_NODES)
    # apply_func: bias=None, activation=None -> identity
    return h_out

if __name__ == "__main__":
    import jax
    _d = setup_inputs()
    print(jax.jit(kernel)(*tuple(_d.values())))

</pallas_src>

<mosaic_0001>
#map = affine_map<(d0, d1) -> (0, 0)>
#map1 = affine_map<(d0, d1) -> (0)>
module attributes {stable_mosaic.version = 14 : i64} {
  func.func @_sc_gather_scatter(%arg0: i32, %arg1: i32, %arg2: memref<80000x128xf32, #tpu.memory_space<hbm>>, %arg3: memref<323584xi32, #tpu.memory_space<hbm>>, %arg4: memref<323584xi32, #tpu.memory_space<hbm>>, %arg5: memref<323584xi32, #tpu.memory_space<hbm>>, %arg6: memref<10112x128xf32, #tpu.memory_space<hbm>>, %arg7: memref<20224x128xf32, #tpu.memory_space<hbm>>, %arg8: memref<128xi32, #tpu.memory_space<vmem>>, %arg9: memref<128xi32, #tpu.memory_space<vmem>>, %arg10: memref<128xi32, #tpu.memory_space<vmem>>, %arg11: memref<128xi32, #tpu.memory_space<vmem>>, %arg12: memref<128x128xf32, #tpu.memory_space<vmem>>, %arg13: memref<10112x128xf32, #tpu.memory_space<vmem_shared>>, %arg14: memref<!tpu.dma_semaphore, #tpu.memory_space<semaphore_mem>>) attributes {dimension_semantics = [#tpu.dimension_semantics<core_parallel>, #tpu.dimension_semantics<subcore_parallel>], iteration_bounds = array<i64: 2, 16>, scalar_prefetch = 0 : i64, scratch_operands = 7 : i64, tpu.core_type = #tpu.core_type<sc_vector_subcore>, window_params = [{transform_indices = #map}, {transform_indices = #map1}, {transform_indices = #map1}, {transform_indices = #map1}, {transform_indices = #map}, {transform_indices = #map}]} {
    %mul3A = arith.constant 16 : i32
    %mul3A_0 = arith.muli %arg0, %mul3A : i32
    %add3A = arith.addi %mul3A_0, %arg1 : i32
    %mul3A_1 = arith.constant 632 : i32
    %mul3A_2 = arith.muli %arg1, %mul3A_1 : i32
    %mul3A_3 = arith.constant 632 : i32
    %mul3A_4 = arith.muli %arg1, %mul3A_3 : i32
    "tpu.region"() ({
      %run_scoped3A = tpu.sem_alloc : memref<!tpu.dma_semaphore, #tpu.memory_space<semaphore_mem>>
      %dma_start3A = arith.constant 0 : i32
      %dma_start3A_20 = tpu.memref_slice %arg13[%mul3A_4, %dma_start3A] : memref<10112x128xf32, #tpu.memory_space<vmem_shared>> -> memref<632x128xf32, #tpu.memory_space<vmem_shared>>
      %dma_start3A_21 = arith.constant 0 : i32
      %dma_start3A_22 = tpu.memref_slice %arg6[%mul3A_2, %dma_start3A_21] : memref<10112x128xf32, #tpu.memory_space<hbm>> -> memref<632x128xf32, #tpu.memory_space<hbm>>
      tpu.enqueue_dma source(%dma_start3A_22 : memref<632x128xf32, #tpu.memory_space<hbm>>) target(%dma_start3A_20 : memref<632x128xf32, #tpu.memory_space<vmem_shared>>) target_semaphore(%run_scoped3A : memref<!tpu.dma_semaphore, #tpu.memory_space<semaphore_mem>>)
      %dma_wait3A = arith.constant 0 : i32
      %dma_wait3A_23 = tpu.memref_slice %arg13[%mul3A_4, %dma_wait3A] : memref<10112x128xf32, #tpu.memory_space<vmem_shared>> -> memref<632x128xf32, #tpu.memory_space<vmem_shared>>
      %dma_wait3A_24 = arith.constant 0 : i32
      %dma_wait3A_25 = tpu.memref_slice %arg6[%mul3A_2, %dma_wait3A_24] : memref<10112x128xf32, #tpu.memory_space<hbm>> -> memref<632x128xf32, #tpu.memory_space<hbm>>
      tpu.wait_dma2 semaphore(%run_scoped3A : memref<!tpu.dma_semaphore, #tpu.memory_space<semaphore_mem>>) src(%dma_wait3A_25 : memref<632x128xf32, #tpu.memory_space<hbm>>) dst(%dma_wait3A_23 : memref<632x128xf32, #tpu.memory_space<vmem_shared>>)
      tpu.yield
    }) : () -> ()
    %barrier3A = arith.constant 0 : index
    tpu.barrier barrier_id(%barrier3A)
    %mul3A_5 = arith.constant 10112 : i32
    %mul3A_6 = arith.muli %add3A, %mul3A_5 : i32
    %scan3A = arith.constant 0 : i32
    %scan3A_7 = arith.constant 0 : i32
    %scan3A_8 = arith.constant 79 : i32
    %scan3A_9 = arith.addi %scan3A_7, %scan3A_8 : i32
    %scan3A_10 = arith.constant 1 : i32
    scf.for %scan3A_20 = %scan3A_7 to %scan3A_9 step %scan3A_10  : i32 {
      %mul3A_21 = arith.constant 128 : i32
      %mul3A_22 = arith.muli %scan3A_20, %mul3A_21 : i32
      %add3A_23 = arith.addi %mul3A_6, %mul3A_22 : i32
      "tpu.region"() ({
        %run_scoped3A = tpu.sem_alloc : memref<!tpu.dma_semaphore, #tpu.memory_space<semaphore_mem>>
        %dma_start3A_138 = tpu.memref_slice %arg3[%add3A_23] : memref<323584xi32, #tpu.memory_space<hbm>> -> memref<128xi32, #tpu.memory_space<hbm>>
        %dma_start3A_139 = tpu.memref_slice %arg3[%add3A_23] : memref<323584xi32, #tpu.memory_space<hbm>> -> memref<128xi32, #tpu.memory_space<hbm>>
        tpu.enqueue_dma source(%dma_start3A_139 : memref<128xi32, #tpu.memory_space<hbm>>) target(%arg8 : memref<128xi32, #tpu.memory_space<vmem>>) target_semaphore(%run_scoped3A : memref<!tpu.dma_semaphore, #tpu.memory_space<semaphore_mem>>)
        %dma_wait3A_140 = tpu.memref_slice %arg3[%add3A_23] : memref<323584xi32, #tpu.memory_space<hbm>> -> memref<128xi32, #tpu.memory_space<hbm>>
        %dma_wait3A_141 = tpu.memref_slice %arg3[%add3A_23] : memref<323584xi32, #tpu.memory_space<hbm>> -> memref<128xi32, #tpu.memory_space<hbm>>
        tpu.wait_dma2 semaphore(%run_scoped3A : memref<!tpu.dma_semaphore, #tpu.memory_space<semaphore_mem>>) src(%dma_wait3A_141 : memref<128xi32, #tpu.memory_space<hbm>>) dst(%arg8 : memref<128xi32, #tpu.memory_space<vmem>>)
        tpu.yield
      }) : () -> ()
      "tpu.region"() ({
        %run_scoped3A = tpu.sem_alloc : memref<!tpu.dma_semaphore, #tpu.memory_space<semaphore_mem>>
        %dma_start3A_138 = tpu.memref_slice %arg4[%add3A_23] : memref<323584xi32, #tpu.memory_space<hbm>> -> memref<128xi32, #tpu.memory_space<hbm>>
        %dma_start3A_139 = tpu.memref_slice %arg4[%add3A_23] : memref<323584xi32, #tpu.memory_space<hbm>> -> memref<128xi32, #tpu.memory_space<hbm>>
        tpu.enqueue_dma source(%dma_start3A_139 : memref<128xi32, #tpu.memory_space<hbm>>) target(%arg9 : memref<128xi32, #tpu.memory_space<vmem>>) target_semaphore(%run_scoped3A : memref<!tpu.dma_semaphore, #tpu.memory_space<semaphore_mem>>)
        %dma_wait3A_140 = tpu.memref_slice %arg4[%add3A_23] : memref<323584xi32, #tpu.memory_space<hbm>> -> memref<128xi32, #tpu.memory_space<hbm>>
        %dma_wait3A_141 = tpu.memref_slice %arg4[%add3A_23] : memref<323584xi32, #tpu.memory_space<hbm>> -> memref<128xi32, #tpu.memory_space<hbm>>
        tpu.wait_dma2 semaphore(%run_scoped3A : memref<!tpu.dma_semaphore, #tpu.memory_space<semaphore_mem>>) src(%dma_wait3A_141 : memref<128xi32, #tpu.memory_space<hbm>>) dst(%arg9 : memref<128xi32, #tpu.memory_space<vmem>>)
        tpu.yield
      }) : () -> ()
      "tpu.region"() ({
        %run_scoped3A = tpu.sem_alloc : memref<!tpu.dma_semaphore, #tpu.memory_space<semaphore_mem>>
        %dma_start3A_138 = tpu.memref_slice %arg5[%add3A_23] : memref<323584xi32, #tpu.memory_space<hbm>> -> memref<128xi32, #tpu.memory_space<hbm>>
        %dma_start3A_139 = tpu.memref_slice %arg5[%add3A_23] : memref<323584xi32, #tpu.memory_space<hbm>> -> memref<128xi32, #tpu.memory_space<hbm>>
        tpu.enqueue_dma source(%dma_start3A_139 : memref<128xi32, #tpu.memory_space<hbm>>) target(%arg10 : memref<128xi32, #tpu.memory_space<vmem>>) target_semaphore(%run_scoped3A : memref<!tpu.dma_semaphore, #tpu.memory_space<semaphore_mem>>)
        %dma_wait3A_140 = tpu.memref_slice %arg5[%add3A_23] : memref<323584xi32, #tpu.memory_space<hbm>> -> memref<128xi32, #tpu.memory_space<hbm>>
        %dma_wait3A_141 = tpu.memref_slice %arg5[%add3A_23] : memref<323584xi32, #tpu.memory_space<hbm>> -> memref<128xi32, #tpu.memory_space<hbm>>
        tpu.wait_dma2 semaphore(%run_scoped3A : memref<!tpu.dma_semaphore, #tpu.memory_space<semaphore_mem>>) src(%dma_wait3A_141 : memref<128xi32, #tpu.memory_space<hbm>>) dst(%arg10 : memref<128xi32, #tpu.memory_space<vmem>>)
        tpu.yield
      }) : () -> ()
      %get3A = arith.constant 0 : index
      %get3A_24 = tpu.vector_load %arg8[%get3A] {strides = array<i32>} : memref<128xi32, #tpu.memory_space<vmem>>, vector<16xi32>,
      %get3A_25 = vector.shape_cast %get3A_24 : vector<16xi32> to vector<16xi32>
      %mul3A_26 = arith.constant 8 : i32
      %mul3A_27 = vector.broadcast %mul3A_26 : i32 to vector<16xi32>
      %mul3A_28 = arith.muli %get3A_25, %mul3A_27 : vector<16xi32>
      %get3A_29 = arith.constant 0 : index
      %get3A_30 = tpu.vector_load %arg9[%get3A_29] {strides = array<i32>} : memref<128xi32, #tpu.memory_space<vmem>>, vector<16xi32>,
      %get3A_31 = vector.shape_cast %get3A_30 : vector<16xi32> to vector<16xi32>
      %add3A_32 = arith.addi %mul3A_28, %get3A_31 : vector<16xi32>
      %swap3A = arith.constant 0 : index
      %swap3A_33 = tpu.vector_load %arg11[%swap3A] {strides = array<i32>} : memref<128xi32, #tpu.memory_space<vmem>>, vector<16xi32>,
      %swap3A_34 = vector.shape_cast %swap3A_33 : vector<16xi32> to vector<16xi32>
      %swap3A_35 = vector.shape_cast %add3A_32 : vector<16xi32> to vector<16xi32>
      tpu.vector_store %arg11[%swap3A], %swap3A_35 {strides = array<i32>} : memref<128xi32, #tpu.memory_space<vmem>>, vector<16xi32>,
      %get3A_36 = arith.constant 16 : index
      %get3A_37 = tpu.vector_load %arg8[%get3A_36] {strides = array<i32>} : memref<128xi32, #tpu.memory_space<vmem>>, vector<16xi32>,
      %get3A_38 = vector.shape_cast %get3A_37 : vector<16xi32> to vector<16xi32>
      %mul3A_39 = arith.constant 8 : i32
      %mul3A_40 = vector.broadcast %mul3A_39 : i32 to vector<16xi32>
      %mul3A_41 = arith.muli %get3A_38, %mul3A_40 : vector<16xi32>
      %get3A_42 = arith.constant 16 : index
      %get3A_43 = tpu.vector_load %arg9[%get3A_42] {strides = array<i32>} : memref<128xi32, #tpu.memory_space<vmem>>, vector<16xi32>,
      %get3A_44 = vector.shape_cast %get3A_43 : vector<16xi32> to vector<16xi32>
      %add3A_45 = arith.addi %mul3A_41, %get3A_44 : vector<16xi32>
      %swap3A_46 = arith.constant 16 : index
      %swap3A_47 = tpu.vector_load %arg11[%swap3A_46] {strides = array<i32>} : memref<128xi32, #tpu.memory_space<vmem>>, vector<16xi32>,
      %swap3A_48 = vector.shape_cast %swap3A_47 : vector<16xi32> to vector<16xi32>
      %swap3A_49 = vector.shape_cast %add3A_45 : vector<16xi32> to vector<16xi32>
      tpu.vector_store %arg11[%swap3A_46], %swap3A_49 {strides = array<i32>} : memref<128xi32, #tpu.memory_space<vmem>>, vector<16xi32>,
      %get3A_50 = arith.constant 32 : index
      %get3A_51 = tpu.vector_load %arg8[%get3A_50] {strides = array<i32>} : memref<128xi32, #tpu.memory_space<vmem>>, vector<16xi32>,
      %get3A_52 = vector.shape_cast %get3A_51 : vector<16xi32> to vector<16xi32>
      %mul3A_53 = arith.constant 8 : i32
      %mul3A_54 = vector.broadcast %mul3A_53 : i32 to vector<16xi32>
      %mul3A_55 = arith.muli %get3A_52, %mul3A_54 : vector<16xi32>
      %get3A_56 = arith.constant 32 : index
      %get3A_57 = tpu.vector_load %arg9[%get3A_56] {strides = array<i32>} : memref<128xi32, #tpu.memory_space<vmem>>, vector<16xi32>,
      %get3A_58 = vector.shape_cast %get3A_57 : vector<16xi32> to vector<16xi32>
      %add3A_59 = arith.addi %mul3A_55, %get3A_58 : vector<16xi32>
      %swap3A_60 = arith.constant 32 : index
      %swap3A_61 = tpu.vector_load %arg11[%swap3A_60] {strides = array<i32>} : memref<128xi32, #tpu.memory_space<vmem>>, vector<16xi32>,
      %swap3A_62 = vector.shape_cast %swap3A_61 : vector<16xi32> to vector<16xi32>
      %swap3A_63 = vector.shape_cast %add3A_59 : vector<16xi32> to vector<16xi32>
      tpu.vector_store %arg11[%swap3A_60], %swap3A_63 {strides = array<i32>} : memref<128xi32, #tpu.memory_space<vmem>>, vector<16xi32>,
      %get3A_64 = arith.constant 48 : index
      %get3A_65 = tpu.vector_load %arg8[%get3A_64] {strides = array<i32>} : memref<128xi32, #tpu.memory_space<vmem>>, vector<16xi32>,
      %get3A_66 = vector.shape_cast %get3A_65 : vector<16xi32> to vector<16xi32>
      %mul3A_67 = arith.constant 8 : i32
      %mul3A_68 = vector.broadcast %mul3A_67 : i32 to vector<16xi32>
      %mul3A_69 = arith.muli %get3A_66, %mul3A_68 : vector<16xi32>
      %get3A_70 = arith.constant 48 : index
      %get3A_71 = tpu.vector_load %arg9[%get3A_70] {strides = array<i32>} : memref<128xi32, #tpu.memory_space<vmem>>, vector<16xi32>,
      %get3A_72 = vector.shape_cast %get3A_71 : vector<16xi32> to vector<16xi32>
      %add3A_73 = arith.addi %mul3A_69, %get3A_72 : vector<16xi32>
      %swap3A_74 = arith.constant 48 : index
      %swap3A_75 = tpu.vector_load %arg11[%swap3A_74] {strides = array<i32>} : memref<128xi32, #tpu.memory_space<vmem>>, vector<16xi32>,
      %swap3A_76 = vector.shape_cast %swap3A_75 : vector<16xi32> to vector<16xi32>
      %swap3A_77 = vector.shape_cast %add3A_73 : vector<16xi32> to vector<16xi32>
      tpu.vector_store %arg11[%swap3A_74], %swap3A_77 {strides = array<i32>} : memref<128xi32, #tpu.memory_space<vmem>>, vector<16xi32>,
      %get3A_78 = arith.constant 64 : index
      %get3A_79 = tpu.vector_load %arg8[%get3A_78] {strides = array<i32>} : memref<128xi32, #tpu.memory_space<vmem>>, vector<16xi32>,
      %get3A_80 = vector.shape_cast %get3A_79 : vector<16xi32> to vector<16xi32>
      %mul3A_81 = arith.constant 8 : i32
      %mul3A_82 = vector.broadcast %mul3A_81 : i32 to vector<16xi32>
      %mul3A_83 = arith.muli %get3A_80, %mul3A_82 : vector<16xi32>
      %get3A_84 = arith.constant 64 : index
      %get3A_85 = tpu.vector_load %arg9[%get3A_84] {strides = array<i32>} : memref<128xi32, #tpu.memory_space<vmem>>, vector<16xi32>,
      %get3A_86 = vector.shape_cast %get3A_85 : vector<16xi32> to vector<16xi32>
      %add3A_87 = arith.addi %mul3A_83, %get3A_86 : vector<16xi32>
      %swap3A_88 = arith.constant 64 : index
      %swap3A_89 = tpu.vector_load %arg11[%swap3A_88] {strides = array<i32>} : memref<128xi32, #tpu.memory_space<vmem>>, vector<16xi32>,
      %swap3A_90 = vector.shape_cast %swap3A_89 : vector<16xi32> to vector<16xi32>
      %swap3A_91 = vector.shape_cast %add3A_87 : vector<16xi32> to vector<16xi32>
      tpu.vector_store %arg11[%swap3A_88], %swap3A_91 {strides = array<i32>} : memref<128xi32, #tpu.memory_space<vmem>>, vector<16xi32>,
      %get3A_92 = arith.constant 80 : index
      %get3A_93 = tpu.vector_load %arg8[%get3A_92] {strides = array<i32>} : memref<128xi32, #tpu.memory_space<vmem>>, vector<16xi32>,
      %get3A_94 = vector.shape_cast %get3A_93 : vector<16xi32> to vector<16xi32>
      %mul3A_95 = arith.constant 8 : i32
      %mul3A_96 = vector.broadcast %mul3A_95 : i32 to vector<16xi32>
      %mul3A_97 = arith.muli %get3A_94, %mul3A_96 : vector<16xi32>
      %get3A_98 = arith.constant 80 : index
      %get3A_99 = tpu.vector_load %arg9[%get3A_98] {strides = array<i32>} : memref<128xi32, #tpu.memory_space<vmem>>, vector<16xi32>,
      %get3A_100 = vector.shape_cast %get3A_99 : vector<16xi32> to vector<16xi32>
      %add3A_101 = arith.addi %mul3A_97, %get3A_100 : vector<16xi32>
      %swap3A_102 = arith.constant 80 : index
      %swap3A_103 = tpu.vector_load %arg11[%swap3A_102] {strides = array<i32>} : memref<128xi32, #tpu.memory_space<vmem>>, vector<16xi32>,
      %swap3A_104 = vector.shape_cast %swap3A_103 : vector<16xi32> to vector<16xi32>
      %swap3A_105 = vector.shape_cast %add3A_101 : vector<16xi32> to vector<16xi32>
      tpu.vector_store %arg11[%swap3A_102], %swap3A_105 {strides = array<i32>} : memref<128xi32, #tpu.memory_space<vmem>>, vector<16xi32>,
      %get3A_106 = arith.constant 96 : index
      %get3A_107 = tpu.vector_load %arg8[%get3A_106] {strides = array<i32>} : memref<128xi32, #tpu.memory_space<vmem>>, vector<16xi32>,
      %get3A_108 = vector.shape_cast %get3A_107 : vector<16xi32> to vector<16xi32>
      %mul3A_109 = arith.constant 8 : i32
      %mul3A_110 = vector.broadcast %mul3A_109 : i32 to vector<16xi32>
      %mul3A_111 = arith.muli %get3A_108, %mul3A_110 : vector<16xi32>
      %get3A_112 = arith.constant 96 : index
      %get3A_113 = tpu.vector_load %arg9[%get3A_112] {strides = array<i32>} : memref<128xi32, #tpu.memory_space<vmem>>, vector<16xi32>,
      %get3A_114 = vector.shape_cast %get3A_113 : vector<16xi32> to vector<16xi32>
      %add3A_115 = arith.addi %mul3A_111, %get3A_114 : vector<16xi32>
      %swap3A_116 = arith.constant 96 : index
      %swap3A_117 = tpu.vector_load %arg11[%swap3A_116] {strides = array<i32>} : memref<128xi32, #tpu.memory_space<vmem>>, vector<16xi32>,
      %swap3A_118 = vector.shape_cast %swap3A_117 : vector<16xi32> to vector<16xi32>
      %swap3A_119 = vector.shape_cast %add3A_115 : vector<16xi32> to vector<16xi32>
      tpu.vector_store %arg11[%swap3A_116], %swap3A_119 {strides = array<i32>} : memref<128xi32, #tpu.memory_space<vmem>>, vector<16xi32>,
      %get3A_120 = arith.constant 112 : index
      %get3A_121 = tpu.vector_load %arg8[%get3A_120] {strides = array<i32>} : memref<128xi32, #tpu.memory_space<vmem>>, vector<16xi32>,
      %get3A_122 = vector.shape_cast %get3A_121 : vector<16xi32> to vector<16xi32>
      %mul3A_123 = arith.constant 8 : i32
      %mul3A_124 = vector.broadcast %mul3A_123 : i32 to vector<16xi32>
      %mul3A_125 = arith.muli %get3A_122, %mul3A_124 : vector<16xi32>
      %get3A_126 = arith.constant 112 : index
      %get3A_127 = tpu.vector_load %arg9[%get3A_126] {strides = array<i32>} : memref<128xi32, #tpu.memory_space<vmem>>, vector<16xi32>,
      %get3A_128 = vector.shape_cast %get3A_127 : vector<16xi32> to vector<16xi32>
      %add3A_129 = arith.addi %mul3A_125, %get3A_128 : vector<16xi32>
      %swap3A_130 = arith.constant 112 : index
      %swap3A_131 = tpu.vector_load %arg11[%swap3A_130] {strides = array<i32>} : memref<128xi32, #tpu.memory_space<vmem>>, vector<16xi32>,
      %swap3A_132 = vector.shape_cast %swap3A_131 : vector<16xi32> to vector<16xi32>
      %swap3A_133 = vector.shape_cast %add3A_129 : vector<16xi32> to vector<16xi32>
      tpu.vector_store %arg11[%swap3A_130], %swap3A_133 {strides = array<i32>} : memref<128xi32, #tpu.memory_space<vmem>>, vector<16xi32>,
      %dma_start3A = arith.constant 0 : i32
      %dma_start3A_134 = arith.constant 0 : i32
      %dma_start3A_135 = tpu.memref_slice %arg2[%dma_start3A, %dma_start3A_134] : memref<80000x128xf32, #tpu.memory_space<hbm>> -> memref<80000x128xf32, #tpu.memory_space<hbm>>
      tpu.enqueue_indirect_dma source(%dma_start3A_135 : memref<80000x128xf32, #tpu.memory_space<hbm>>) target(%arg12 : memref<128x128xf32, #tpu.memory_space<vmem>>) offsets(%arg11 : memref<128xi32, #tpu.memory_space<vmem>>) semaphore(%arg14 : memref<!tpu.dma_semaphore, #tpu.memory_space<semaphore_mem>>)
      %dma_wait3A = arith.constant 0 : i32
      %dma_wait3A_136 = arith.constant 0 : i32
      %dma_wait3A_137 = tpu.memref_slice %arg2[%dma_wait3A, %dma_wait3A_136] : memref<80000x128xf32, #tpu.memory_space<hbm>> -> memref<80000x128xf32, #tpu.memory_space<hbm>>
      tpu.wait_indirect_dma semaphore(%arg14 : memref<!tpu.dma_semaphore, #tpu.memory_space<semaphore_mem>>) src(%dma_wait3A_137 : memref<80000x128xf32, #tpu.memory_space<hbm>>) dst(%arg12 : memref<128x128xf32, #tpu.memory_space<vmem>>)
      "tpu.region"() ({
        %run_scoped3A = tpu.sem_alloc : memref<!tpu.dma_semaphore, #tpu.memory_space<semaphore_mem>>
        %dma_start3A_138 = arith.constant 0 : i32
        %dma_start3A_139 = arith.constant 0 : i32
        %dma_start3A_140 = tpu.memref_slice %arg13[%dma_start3A_138, %dma_start3A_139] : memref<10112x128xf32, #tpu.memory_space<vmem_shared>> -> memref<10112x128xf32, #tpu.memory_space<vmem_shared>>
        tpu.enqueue_indirect_dma source(%arg12 : memref<128x128xf32, #tpu.memory_space<vmem>>) target(%dma_start3A_140 : memref<10112x128xf32, #tpu.memory_space<vmem_shared>>) offsets(%arg10 : memref<128xi32, #tpu.memory_space<vmem>>) semaphore(%run_scoped3A : memref<!tpu.dma_semaphore, #tpu.memory_space<semaphore_mem>>) {add = true}
        %dma_wait3A_141 = arith.constant 0 : i32
        %dma_wait3A_142 = arith.constant 0 : i32
        %dma_wait3A_143 = tpu.memref_slice %arg13[%dma_wait3A_141, %dma_wait3A_142] : memref<10112x128xf32, #tpu.memory_space<vmem_shared>> -> memref<10112x128xf32, #tpu.memory_space<vmem_shared>>
        tpu.wait_indirect_dma semaphore(%run_scoped3A : memref<!tpu.dma_semaphore, #tpu.memory_space<semaphore_mem>>) src(%arg12 : memref<128x128xf32, #tpu.memory_space<vmem>>) dst(%dma_wait3A_143 : memref<10112x128xf32, #tpu.memory_space<vmem_shared>>)
        tpu.yield
      }) : () -> ()
    }
    %scan3A_11 = arith.constant 79 : i32
    %barrier3A_12 = arith.constant 0 : index
    tpu.barrier barrier_id(%barrier3A_12)
    %mul3A_13 = arith.constant 632 : i32
    %mul3A_14 = arith.muli %arg1, %mul3A_13 : i32
    %mul3A_15 = arith.constant 10112 : i32
    %mul3A_16 = arith.muli %arg0, %mul3A_15 : i32
    %mul3A_17 = arith.constant 632 : i32
    %mul3A_18 = arith.muli %arg1, %mul3A_17 : i32
    %add3A_19 = arith.addi %mul3A_16, %mul3A_18 : i32
    "tpu.region"() ({
      %run_scoped3A = tpu.sem_alloc : memref<!tpu.dma_semaphore, #tpu.memory_space<semaphore_mem>>
      %dma_start3A = arith.constant 0 : i32
      %dma_start3A_20 = tpu.memref_slice %arg7[%add3A_19, %dma_start3A] : memref<20224x128xf32, #tpu.memory_space<hbm>> -> memref<632x128xf32, #tpu.memory_space<hbm>>
      %dma_start3A_21 = arith.constant 0 : i32
      %dma_start3A_22 = tpu.memref_slice %arg13[%mul3A_14, %dma_start3A_21] : memref<10112x128xf32, #tpu.memory_space<vmem_shared>> -> memref<632x128xf32, #tpu.memory_space<vmem_shared>>
      tpu.enqueue_dma source(%dma_start3A_22 : memref<632x128xf32, #tpu.memory_space<vmem_shared>>) target(%dma_start3A_20 : memref<632x128xf32, #tpu.memory_space<hbm>>) target_semaphore(%run_scoped3A : memref<!tpu.dma_semaphore, #tpu.memory_space<semaphore_mem>>)
      %dma_wait3A = arith.constant 0 : i32
      %dma_wait3A_23 = tpu.memref_slice %arg7[%add3A_19, %dma_wait3A] : memref<20224x128xf32, #tpu.memory_space<hbm>> -> memref<632x128xf32, #tpu.memory_space<hbm>>
      %dma_wait3A_24 = arith.constant 0 : i32
      %dma_wait3A_25 = tpu.memref_slice %arg13[%mul3A_14, %dma_wait3A_24] : memref<10112x128xf32, #tpu.memory_space<vmem_shared>> -> memref<632x128xf32, #tpu.memory_space<vmem_shared>>
      tpu.wait_dma2 semaphore(%run_scoped3A : memref<!tpu.dma_semaphore, #tpu.memory_space<semaphore_mem>>) src(%dma_wait3A_25 : memref<632x128xf32, #tpu.memory_space<vmem_shared>>) dst(%dma_wait3A_23 : memref<632x128xf32, #tpu.memory_space<hbm>>)
      tpu.yield
    }) : () -> ()
    return
  }
}

module attributes {stable_mosaic.version = 14 : i64} {
  func.func @_comb_body(%arg0: memref<8x4xf32, #tpu.memory_space<vmem>>, %arg1: memref<4x16384xf32, #tpu.memory_space<vmem>>, %arg2: memref<8x16384xf32, #tpu.memory_space<vmem>>) attributes {dimension_semantics = [], scalar_prefetch = 0 : i64, scratch_operands = 0 : i64, tpu.core_type = #tpu.core_type<tc>} {
    %get3A = arith.constant 0 : index
    %get3A_0 = arith.constant 0 : index
    %get3A_1 = vector.load %arg0[%get3A, %get3A_0] : memref<8x4xf32, #tpu.memory_space<vmem>>, vector<8x4xf32>
    %get3A_2 = arith.constant 0 : index
    %get3A_3 = arith.constant 0 : index
    %get3A_4 = vector.load %arg1[%get3A_2, %get3A_3] : memref<4x16384xf32, #tpu.memory_space<vmem>>, vector<4x16384xf32>
    %dot_general3A = arith.constant dense<0.000000e+00> : vector<8x16384xf32>
    %dot_general3A_5 = tpu.matmul %get3A_1, %get3A_4, %dot_general3A {dimension_numbers = #tpu.dot_dimension_numbers<[1], [0], [0], [1], [0, 0, 1, 1], [], []>, transpose_lhs_hint = false} : vector<8x4xf32>, vector<4x16384xf32>, vector<8x16384xf32> -> vector<8x16384xf32>
    %swap3A = arith.constant 0 : index
    %swap3A_6 = arith.constant 0 : index
    %swap3A_7 = vector.load %arg2[%swap3A, %swap3A_6] : memref<8x16384xf32, #tpu.memory_space<vmem>>, vector<8x16384xf32>
    tpu.vector_store %arg2[%swap3A, %swap3A_6], %dot_general3A_5 {strides = array<i32>} : memref<8x16384xf32, #tpu.memory_space<vmem>>, vector<8x16384xf32>,
    return
  }
}

module attributes {stable_mosaic.version = 14 : i64} {
  func.func @_mm_body(%arg0: i32, %arg1: memref<1000x128xf32, #tpu.memory_space<vmem>>, %arg2: memref<128x1024xf32, #tpu.memory_space<vmem>>, %arg3: memref<1000x1024xf32, #tpu.memory_space<vmem>>) attributes {dimension_semantics = [#tpu.dimension_semantics<arbitrary>], iteration_bounds = array<i64: 10>, scalar_prefetch = 0 : i64, scratch_operands = 0 : i64, tpu.core_type = #tpu.core_type<tc>, window_params = [{transform_indices = @transform_0, window_bounds = array<i64: 1000, 128>}, {pipeline_mode = #tpu.pipeline_mode<synchronous>, transform_indices = @transform_1, window_bounds = array<i64: 128, 1024>}, {transform_indices = @transform_2, window_bounds = array<i64: 1000, 1024>}]} {
    %get3A = arith.constant 0 : index
    %get3A_0 = arith.constant 0 : index
    %get3A_1 = vector.load %arg1[%get3A, %get3A_0] : memref<1000x128xf32, #tpu.memory_space<vmem>>, vector<1000x128xf32>
    %get3A_2 = arith.constant 0 : index
    %get3A_3 = arith.constant 0 : index
    %get3A_4 = vector.load %arg2[%get3A_2, %get3A_3] : memref<128x1024xf32, #tpu.memory_space<vmem>>, vector<128x1024xf32>
    %dot_general3A = arith.constant dense<0.000000e+00> : vector<1000x1024xf32>
    %dot_general3A_5 = tpu.matmul %get3A_1, %get3A_4, %dot_general3A {dimension_numbers = #tpu.dot_dimension_numbers<[1], [0], [0], [1], [0, 0, 1, 1], [], []>, transpose_lhs_hint = false} : vector<1000x128xf32>, vector<128x1024xf32>, vector<1000x1024xf32> -> vector<1000x1024xf32>
    %swap3A = arith.constant 0 : index
    %swap3A_6 = arith.constant 0 : index
    %swap3A_7 = vector.load %arg3[%swap3A, %swap3A_6] : memref<1000x1024xf32, #tpu.memory_space<vmem>>, vector<1000x1024xf32>
    tpu.vector_store %arg3[%swap3A, %swap3A_6], %dot_general3A_5 {strides = array<i32>} : memref<1000x1024xf32, #tpu.memory_space<vmem>>, vector<1000x1024xf32>,
    return
  }
  func.func @transform_0(%arg0: i32) -> (i32, i32) {
    %c0_i32 = arith.constant 0 : i32
    %c0_i32_0 = arith.constant 0 : i32
    return %arg0, %c0_i32 : i32, i32
  }
  func.func @transform_1(%arg0: i32) -> (i32, i32) {
    %c0_i32 = arith.constant 0 : i32
    %c0_i32_0 = arith.constant 0 : i32
    %c0_i32_1 = arith.constant 0 : i32
    return %c0_i32, %c0_i32_0 : i32, i32
  }
  func.func @transform_2(%arg0: i32) -> (i32, i32) {
    %c0_i32 = arith.constant 0 : i32
    %c0_i32_0 = arith.constant 0 : i32
    return %arg0, %c0_i32 : i32, i32
  }
}

</mosaic_0001>

<sc_bundles>
// kernel: kernel.5.cloned.1.call-start
scs
__scs_entry_jumppad:
0x0: {  	(pc) =	sbr.rel $0x88, $3  }
0x1: {  	(tag) =	ssettag $0x0;
	lr =	simm.s32 $0x1  }
0x2: {  	[smem:$0x3F9C] =	sst lr;
	_ =	strace $0xD0000000  }
0x3: {  	_ = 	snop  }
0x4: {  	_ = 	snop  }
0x5: {  	_ = 	snop  }
0x6: {  	_ = 	snop  }
0x7: {  	_ = 	snop  }
__scs_overlays_trampoline_lowered:
0x8: {  	[smem:$0x3FAB] =	sst s0  }
0x9: {  	[smem:$0x3FAC] =	sst s1  }
0xa: {  	[smem:$0x3FAD] =	sst s2  }
0xb: {  	[smem:$0x3FAE] =	sst s3  }
0xc: {  	[smem:$0x3FAF] =	sst s4  }
0xd: {  	[smem:$0x3FB0] =	sst s5  }
0xe: {  	[smem:$0x3FB1] =	sst s6  }
0xf: {  	[smem:$0x3FB2] =	sst s7  }
0x10: {  	[smem:$0x3FB3] =	sst s8  }
0x11: {  	[smem:$0x3FB4] =	sst s9;
	s0 =	simm.s32 @!p0 $0x0  }
0x12: {  	s1 =	sld [smem:$0x3F9A];
	s0 =	simm.s32 @p0 $0x1  }
0x13: {  	[smem:$0x3FB5] =	sst s0;
	s0 =	simm.s32 @!p1 $0x0  }
0x14: {  	s2 =	sld [smem:$0x3F99];
	s0 =	simm.s32 @p1 $0x1  }
0x15: {  	[smem:$0x3FB6] =	sst s0;
	s0 =	simm.s32 @!p2 $0x0  }
0x16: {  	s3 =	sld [smem:$0x3FDB];
	s0 =	simm.s32 @p2 $0x1  }
0x17: {  	s4 =	simm.s32 $0x1BF5;
	[smem:$0x3FB8] =	sst s0  }
0x18: {  	s0 =	sld [smem:$0x3F9B];
	_ =	swait.ge [sflag:s4], $0x0  }
0x19: {  	s7 =	sld [smem:$0x3F9C]  }
0x1a: {  	s8 =	sadd.s32 $0xFFFFE003, lr  }
0x1b: {  	s9 =	sadd.s32 $0xFFFFFEF7, lr;
	s5 =	simm.s32 $0xFFFFFFFF;
	p2 =	slt.u32 s8, $0xFFFFF086  }
0x1c: {  	p1 =	slt.u32 s9, $0xF7A;
	s5 =	simm.s32 @!p2 $0x0  }
0x1d: {  	s5 =	simm.s32 @p1 $0x1;
	p0 =	seq.s32 s7, s2  }
0x1e: {  	s7 =	smul.u32 @!p0 $0xF7A, s2;
	p2 =	seq.s32 @!p0 s5, $0x0  }
0x1f: {  	s9 =	smul.u32 $0xF7A, s1;
	s8 =	simm.s32 @!p0 $0x1BF5;
	p2 =	por !p2, p0  }
0x20: {  	[sflag:s8] =	ssyncset.s32 @!p0 $0xFFFFF086;
	s6 =	sadd.s32 @!p0 s3, s7;
	s7 =	simm.s32 @!p0 $0x108  }
0x21: {  	s3 =	sadd.s32 s3, s9;
	s6 =	sadd.s32 @!p0 $0x88, s6;
	s7 =	simm.s32 @p2 $0x1082  }
0x22: {  	[simem:s7], [sflag:s8] =	dma.local @!p0 [hbm:s6], $0xF7A  }
0x23: {  	s9 =	sor.u32 $0xD0000000, s2;
	s6 =	simm.s32 $0x108;
	_ =	swait.ge @!p0 [sflag:s8], $0x0  }
0x24: {  	s3 =	sadd.s32 $0x88, s3;
	s6 =	simm.s32 @!p1 $0x1082;
	[sflag:s4] =	ssyncset.s32 $0xFFFFF086  }
0x25: {  	[simem:s6], [sflag:s4] =	dma.local [hbm:s3], $0xF7A  }
0x26: {  	[smem:$0x3F9C] =	sst s1;
	(tag) =	ssettag s2;
	_ =	strace s9  }
0x27: {  	s1 =	sld [smem:$0x3FAC]  }
0x28: {  	s2 =	sld [smem:$0x3FAD]  }
0x29: {  	s4 =	sld [smem:$0x3FAF]  }
0x2a: {  	p0 =	seq.s32 s5, $0x0;
	s5 =	sld [smem:$0x3FB0]  }
0x2b: {  	s6 =	sld [smem:$0x3FB1]  }
0x2c: {  	s7 =	sld [smem:$0x3FB2]  }
0x2d: {  	s3 =	simm.s32 $0x108;
	s8 =	sld [smem:$0x3FB3]  }
0x2e: {  	s3 =	simm.s32 @!p0 $0x1082;
	s9 =	sld [smem:$0x3FB4]  }
0x2f: {  	lr =	sadd.s32 s0, s3;
	s0 =	sld [smem:$0x3FAB]  }
0x30: {  	s3 =	sld [smem:$0x3FAE]  }
0x31: {  	[smem:$0x3FB7] =	sst s10  }
0x32: {  	s10 =	sld [smem:$0x3FB5];
	_ =	sdelay $0x3  }
0x33: {  	p0 =	seq.s32 s10, $0x1;
	s10 =	sld [smem:$0x3FB7];
	_ =	sdelay $0x3  }
0x34: {  	[smem:$0x3FB7] =	sst s10  }
0x35: {  	s10 =	sld [smem:$0x3FB6];
	_ =	sdelay $0x3  }
0x36: {  	p1 =	seq.s32 s10, $0x1;
	s10 =	sld [smem:$0x3FB7];
	_ =	sdelay $0x3  }
0x37: {  	[smem:$0x3FB7] =	sst s10  }
0x38: {  	s10 =	sld [smem:$0x3FB8]  }
0x39: {  	_ = 	snop;
	(pc) =	sbr.ind lr, $3  }
0x3a: {  	_ = 	snop  }
0x3b: {  	_ = 	snop  }
0x3c: {  	p2 =	seq.s32 s10, $0x1;
	s10 =	sld [smem:$0x3FB7]  }
0x3d: {  	_ =	shalt  }
0x3e: {  	_ =	shalt  }
0x3f: {  	_ =	shalt  }
0x40: {  	_ =	shalt  }
0x41: {  	_ =	shalt  }
0x42: {  	_ =	shalt  }
0x43: {  	_ =	shalt  }
0x44: {  	_ =	shalt  }
0x45: {  	_ =	shalt  }
0x46: {  	_ =	shalt  }
0x47: {  	_ =	shalt  }
0x48: {  	_ =	shalt  }
0x49: {  	_ =	shalt  }
0x4a: {  	_ =	shalt  }
0x4b: {  	_ =	shalt  }
0x4c: {  	_ =	shalt  }
0x4d: {  	_ =	shalt  }
0x4e: {  	_ =	shalt  }
0x4f: {  	_ =	shalt  }
0x50: {  	_ =	shalt  }
0x51: {  	_ =	shalt  }
0x52: {  	_ =	shalt  }
0x53: {  	_ =	shalt  }
0x54: {  	_ =	shalt  }
0x55: {  	_ =	shalt  }
0x56: {  	_ =	shalt  }
0x57: {  	_ =	shalt  }
0x58: {  	_ =	shalt  }
0x59: {  	_ =	shalt  }
0x5a: {  	_ =	shalt  }
0x5b: {  	_ =	shalt  }
0x5c: {  	_ =	shalt  }
0x5d: {  	_ =	shalt  }
0x5e: {  	_ =	shalt  }
0x5f: {  	_ =	shalt  }
0x60: {  	_ =	shalt  }
0x61: {  	_ =	shalt  }
0x62: {  	_ =	shalt  }
0x63: {  	_ =	shalt  }
0x64: {  	_ =	shalt  }
0x65: {  	_ =	shalt  }
0x66: {  	_ =	shalt  }
0x67: {  	_ =	shalt  }
0x68: {  	_ =	shalt  }
0x69: {  	_ =	shalt  }
0x6a: {  	_ =	shalt  }
0x6b: {  	_ =	shalt  }
0x6c: {  	_ =	shalt  }
0x6d: {  	_ =	shalt  }
0x6e: {  	_ =	shalt  }
0x6f: {  	_ =	shalt  }
0x70: {  	_ =	shalt  }
0x71: {  	_ =	shalt  }
0x72: {  	_ =	shalt  }
0x73: {  	_ =	shalt  }
0x74: {  	_ =	shalt  }
0x75: {  	_ =	shalt  }
0x76: {  	_ =	shalt  }
0x77: {  	_ =	shalt  }
0x78: {  	_ =	shalt  }
0x79: {  	_ =	shalt  }
0x7a: {  	_ =	shalt  }
0x7b: {  	_ =	shalt  }
0x7c: {  	_ =	shalt  }
0x7d: {  	_ =	shalt  }
0x7e: {  	_ =	shalt  }
0x7f: {  	_ =	shalt  }
0x80: {  	_ =	shalt  }
0x81: {  	_ =	shalt  }
0x82: {  	_ =	shalt  }
0x83: {  	_ =	shalt  }
0x84: {  	_ =	shalt  }
0x85: {  	_ =	shalt  }
0x86: {  	_ =	shalt  }
0x87: {  	_ =	shalt  }
.Lfunc_end0:
.L_simem_size_0:
called_computation_lowered:
.L_overlay_start_0:
0x88: {  	s2 =	sld [smem:$0x3FD9]  }
0x89: {  	s3 =	sld [smem:$0x3FFE];
	_ =	sdelay $0x1  }
0x8a: {  	s1 =	srdreg.scid  }
0x8b: {  	s0 =	sand.u32 $0x1, s1  }
0x8c: {  	s17 =	sshll.u32 s0, $0xA;
	s2 =	sadd.s32 s3, s2  }
0x8d: {  	s2 =	sadd.s32 s2, s17  }
0x8e: {  	[smem:$0x3FC3] =	sst s2  }
0x8f: {  	_ = 	snop  }
0x90: {  	s2 =	sld [smem:$0x3FD0];
	(tm) =	ssettm $0x1  }
0x91: {  	s18 =	sld [smem:$0x3FFB];
	_ =	sdelay $0x3  }
0x92: {  	_ =	strace s18  }
0x93: {  	s3 =	sld [smem:$0x3FFC];
	_ =	sdelay $0x3  }
0x94: {  	_ =	strace s3  }
0x95: {  	s3 =	sld [smem:$0x3FFD];
	_ =	sdelay $0x3  }
0x96: {  	_ =	strace s3  }
0x97: {  	_ =	strace $0x8FFFFFFF  }
0x98: {  	s19 =	sld [smem:$0x3FDB];
	_ =	sdelay $0x1  }
0x99: {  	s4 =	simm.s32 $_scs_section_size  }
0x9a: {  	s5 =	simm.s32 $_size__tile_overlayer_lowered;
	s6 =	simm.s32 $_tile_overlayer_lowered  }
0x9b: {  	s22 =	simm.s32 $0x1BFF;
	s21 =	sshll.u32 s6, $0x1;
	s3 =	sadd.s32 s4, s19  }
0x9c: {  	s7 =	simm.s32 $0x0;
	s20 =	sshll.u32 s5, $0x1;
	s5 =	sadd.s32 s21, s3  }
0x9d: {  	[timem:s7], [sflag:s22] =	dma.local [hbm:s5], s20  }
0x9e: {  	_ =	swait.ge [sflag:s22], s20  }
0x9f: {  	s4 =	ssub.s32 $0x0, s20;
	[sflag:s22] =	ssyncset.done $0x0  }
0xa0: {  	[sflag:s22] =	ssyncadd.s32 s4;
	_ =	sdelay $0x1  }
0xa1: {  	s23 =	simm.s32 $0x1B8B  }
0xa2: {  	_ =	swait.ge [sflag:s23], $0x1  }
0xa3: {  	[sflag:s23] =	ssyncset.done $0x0  }
0xa4: {  	s25 =	simm.s32 $0x1B8E;
	s24 =	sld [smem:$0x3FFE];
	[sflag:s23] =	ssyncadd.s32 $0xFFFFFFFF  }
0xa5: {  	s26 =	simm.s32 $execute0_lowered;
	[smem:$0x3FD2] =	sst s25  }
0xa6: {  	s5 =	sshll.u32 s26, $0x1;
	_ =	strace $0x80000046;
	[dreg:$0x1] =	wrdreg $0xFFFFFFFF  }
0xa7: {  	s28 =	simm.s32 $_size_execute0_lowered;
	s3 =	sadd.s32 s3, s5;
	[dreg:$0x0] =	wrdreg $0x0  }
0xa8: {  	s5 =	sshll.u32 s28, $0x1;
	[dreg:$0x2] =	wrdreg s3  }
0xa9: {  	[dreg:$0x3] =	wrdreg s5  }
0xaa: {  	[dreg:$0x4] =	wrdreg $0xC0  }
0xab: {  	_ =	task [dreg:s7], $0x5FFFF  }
0xac: {  	[dreg:$0x1] =	wrdreg $0xFFFFFFFF  }
0xad: {  	[dreg:$0x0] =	wrdreg $0x60  }
0xae: {  	[dreg:$0x2] =	wrdreg s24  }
0xaf: {  	[dreg:$0x3] =	wrdreg s2  }
0xb0: {  	[dreg:$0x4] =	wrdreg $0x42000  }
0xb1: {  	[dreg:$0x5] =	wrdreg $0x9  }
0xb2: {  	_ =	task.clear_ibuf [dreg:s7], $0x6FFFF;
	_ =	strace $0x90000046  }
0xb3: {  	s29 =	simm.s32 $0x9;
	_ =	strace $0x80000048  }
0xb4: {  	_ =	swait.ge [sflag:s29], $0x1  }
0xb5: {  	[sflag:s29] =	ssyncadd.s32 $0xFFFFFFFF  }
0xb6: {  	_ =	strace $0x90000048  }
0xb7: {  	_ =	sfence  }
0xb8: {  	s30 =	sld [smem:$0x0];
	_ =	sdelay $0x2  }
0xb9: {  	s31 =	sshll.u32 s1, $0xD;
	s1 =	sshrl.u32 s1, $0x2  }
0xba: {  	s3 =	sand.u32 $0x4000, s31;
	s1 =	sadd.s32 s1, s30  }
0xbb: {  	s0 =	sor.u32 s3, s0;
	s1 =	sshll.u32 s1, $0x11  }
0xbc: {  	s0 =	sor.u32 s1, s0  }
0xbd: {  	s0 =	sadd.s32 $0x8F2B, s0  }
0xbe: {  	[sflag:s0] =	ssyncadd.remote.s32 $0x1  }
0xbf: {  	_ =	sfence.sel $0xFFFF  }
0xc0: {  	[dreg:$0x0] =	wrdreg $0xFFFFFFFF;
	(pc) =	sbr.abs _section_cstart, $3  }
0xc1: {  	[dreg:$0x1] =	wrdreg $0xFFFFFFFF  }
0xc2: {  	_ =	task.clear_ibuf [dreg:s7], $0x2FFFF;
	_ =	strace $0x9FFFFFFF  }
0xc3: {  	(tm) =	ssettm $0x7FFFFFFF  }
tec
execute0_lowered:
.L_overlay_start_1:
0x0: {  	(tag) =	ssettag $0x1  }
0x1: {  	s5 =	rddreg [dreg:$0x0]  }
0x2: {  	s11 =	rddreg [dreg:$0x1]  }
0x3: {  	s1 =	rddreg [dreg:$0x2];
	s2 =	srdreg.scid  }
0x4: {  	s0 =	rddreg [dreg:$0x3];
	s3 =	simm.s32 $0x0;
	s15 =	simm.s32 $0x100  }
0x5: {  	s16 =	simm.s32 $0x180;
	s17 =	simm.s32 $0x200;
	s6 =	sand.u32 $0x1, s2  }
0x6: {  	s18 =	simm.s32 $0x1;
	s2 =	stileid.u32;
	s12 =	smul.u32 $0x4F00, s6  }
0x7: {  	[smem:$0x7FF] =	sst s3;
	s4 =	sadd.s32 $0x138C00, s5;
	s7 =	smul.u32 $0x2780, s2  }
0x8: {  	s19 =	simm.s32 $0x0;
	_ =	strace $0x80000047;
	s8 =	smul.u32 $0x27800, s6  }
0x9: {  	s6 =	ssub.s32 $0x2, s6;
	s13 =	smul.u32 $0x4F000, s2;
	s29 =	sshll.u32 s2, $0x6  }
0xa: {  	s30 =	smul.u32 $0x4F0, s2;
	s10 =	sshrl.u32 s6, $0x1;
	s9 =	sadd.s32 s12, s5  }
0xb: {  	s8 =	sadd.s32 s7, s8;
	s7 =	sadd.s32 s7, s5;
	s10 =	ssub.s32 s6, s10  }
0xc: {  	s28 =	sshrl.u32 s13, $0x2;
	s6 =	sor.u32 $0x1C02, s29;
	s11 =	sadd.s32 s12, s11  }
0xd: {  	s13 =	simm.s32 $0x2;
	s8 =	sadd.s32 s8, s5;
	s14 =	sadd.s32 s28, s1  }
0xe: {  	s5 =	sadd.s32 $0x14000, s7;
	s31 =	sadd.s32 s30, s9;
	s11 =	sadd.s32 s30, s11  }
0xf: {  	s7 =	sadd.s32 $0x3B800, s8;
	s8 =	smax.u32 s10, $0x1;
	s9 =	sadd.s32 $0xA200, s31  }
0x10: {  	s10 =	sadd.s32 $0x400, s31;
	s12 =	sshrl.u32 s14, $0x3;
	s14 =	simm.s32 $0x80  }
.LBB2_1:
0x11: {  	[spmem:s12], [sflag:s6] =	dma.local [hbm:s5], $0x2780  }
0x12: {  	_ =	swait.ge [sflag:s13], $0x2780  }
0x13: {  	[sflag:s13] =	ssyncset.done $0x0  }
0x14: {  	[sflag:s13] =	ssyncadd.s32 $0xFFFFD880  }
0x15: {  	s20 =	sadd.s32 $0x0, s11;
	[bflag:$0x0] =	sbarrier.arrive $0xFFFF  }
0x16: {  	[tilespmem:s3], [sflag:$0x2] =	stream.linear.gather [hbm4b:s20+s3], $0x80, $0x38;
	[tilespmem:$0x17E00] =	vst v63  }
0x17: {  	_ =	swait.ge [sflag:s13], $0x80  }
0x18: {  	[sflag:s13] =	ssyncset.done $0x0  }
0x19: {  	s30 =	sadd.s32 $0x0, s10;
	[sflag:s13] =	ssyncadd.s32 $0xFFFFFF80  }
0x1a: {  	[tilespmem:s14], [sflag:$0x2] =	stream.linear.gather [hbm4b:s30+s3], $0x80, $0x38;
	[tilespmem:$0x17E00] =	vst v63  }
0x1b: {  	_ =	swait.ge [sflag:s13], $0x80  }
0x1c: {  	[sflag:s13] =	ssyncset.done $0x0  }
0x1d: {  	s31 =	sadd.s32 $0x0, s9;
	[sflag:s13] =	ssyncadd.s32 $0xFFFFFF80  }
0x1e: {  	[tilespmem:s15], [sflag:$0x2] =	stream.linear.gather [hbm4b:s31+s3], $0x80, $0x38;
	[tilespmem:$0x17E00] =	vst v63  }
0x1f: {  	_ =	swait.ge [sflag:s13], $0x80  }
0x20: {  	[sflag:s13] =	ssyncset.done $0x0  }
0x21: {  	[sflag:s13] =	ssyncadd.s32 $0xFFFFFF80  }
0x22: {  	v0 =	vld [tilespmem:$0x80]  }
0x23: {  	v2 =	vld [tilespmem:$0xD0]  }
0x24: {  	v3 =	vld [tilespmem:$0xB0]  }
0x25: {  	v5 =	vld [tilespmem:$0xA0]  }
0x26: {  	v1 =	vld [tilespmem:$0x50]  }
0x27: {  	v4 =	vld [tilespmem:$0x30]  }
0x28: {  	v6 =	vld [tilespmem:$0x20]  }
0x29: {  	v7 =	vld [tilespmem:$0xF0]  }
0x2a: {  	v8 =	vld [tilespmem:$0x70]  }
0x2b: {  	v9 =	vld [tilespmem:$0x10]  }
0x2c: {  	v10 =	vshll.u32 v1, $0x3;
	v1 =	vld [tilespmem:$0x60]  }
0x2d: {  	v4 =	vshll.u32 v4, $0x3;
	v10 =	vadd.s32 v2, v10;
	v2 =	vld [tilespmem:$0x0]  }
0x2e: {  	v6 =	vshll.u32 v6, $0x3;
	v3 =	vadd.s32 v3, v4;
	v4 =	vld [tilespmem:$0x40];
	[tilespmem:$0x1D0] =	vst v10  }
0x2f: {  	v8 =	vshll.u32 v8, $0x3;
	v5 =	vadd.s32 v5, v6;
	[tilespmem:$0x1B0] =	vst v3;
	v3 =	vld [tilespmem:$0xC0]  }
0x30: {  	s20 =	simm.s32 $0x10;
	v6 =	vld [tilespmem:$0x90];
	v7 =	vadd.s32 v7, v8;
	[tilespmem:$0x1A0] =	vst v5;
	v5 =	vshll.u32 v9, $0x3  }
.LBB2_2:
0x31: {  	p0 =	sne.s32 s20, $0x4E0;
	v8 =	vld [tilespmem:$0xE0];
	s21 =	smov.u32 s20;
	s20 =	sadd.s32 $0x10, s20  }
0x32: {  	v2 =	vshll.u32 v2, $0x3  }
0x33: {  	v0 =	vadd.s32 v0, v2;
	v2 =	vshll.u32 v4, $0x3;
	[tilespmem:$0x1F0] =	vst v7  }
0x34: {  	[tilespmem:$0x180] =	vst v0;
	v0 =	vadd.s32 v3, v2  }
0x35: {  	v2 =	vadd.s32 v6, v5;
	[tilespmem:$0x1C0] =	vst v0;
	v0 =	vshll.u32 v1, $0x3  }
0x36: {  	[tilespmem:$0x190] =	vst v2;
	v0 =	vadd.s32 v8, v0  }
0x37: {  	[tilespmem:$0x1E0] =	vst v0  }
0x38: {  	[tilespmem:s17], [sflag:$0x1] =	stream.indirect.gather [hbm4b:s4+s14], $0x80, s16, s14, $0xb8;
	[tilespmem:$0x17E00] =	vst v63  }
0x39: {  	_ =	swait.ge [sflag:s18], $0x4000  }
0x3a: {  	[sflag:s18] =	ssyncset.done $0x0  }
0x3b: {  	[sflag:s18] =	ssyncadd.s32 $0xFFFFC000  }
0x3c: {  	[spmem:s1] =	stream.indirect.scatter.add.f32 [tilespmem:s17], [sflag:$0x2], $0x80, s15, s14, $0xb8;
	[tilespmem:$0x17E00] =	vst v63  }
0x3d: {  	_ =	swait.ge [sflag:s13], $0x4000  }
0x3e: {  	[sflag:s13] =	ssyncset.done $0x0  }
0x3f: {  	s22 =	sadd.s32 s21, s11;
	[sflag:s13] =	ssyncadd.s32 $0xFFFFC000  }
0x40: {  	[tilespmem:s3], [sflag:$0x2] =	stream.linear.gather [hbm4b:s22+s3], $0x80, $0x38;
	[tilespmem:$0x17E00] =	vst v63  }
0x41: {  	_ =	swait.ge [sflag:s13], $0x80  }
0x42: {  	[sflag:s13] =	ssyncset.done $0x0  }
0x43: {  	s22 =	sadd.s32 s21, s10;
	[sflag:s13] =	ssyncadd.s32 $0xFFFFFF80  }
0x44: {  	[tilespmem:s14], [sflag:$0x2] =	stream.linear.gather [hbm4b:s22+s3], $0x80, $0x38;
	[tilespmem:$0x17E00] =	vst v63  }
0x45: {  	_ =	swait.ge [sflag:s13], $0x80  }
0x46: {  	[sflag:s13] =	ssyncset.done $0x0  }
0x47: {  	s21 =	sadd.s32 s21, s9;
	[sflag:s13] =	ssyncadd.s32 $0xFFFFFF80  }
0x48: {  	[tilespmem:s15], [sflag:$0x2] =	stream.linear.gather [hbm4b:s21+s3], $0x80, $0x38;
	[tilespmem:$0x17E00] =	vst v63  }
0x49: {  	_ =	swait.ge [sflag:s13], $0x80  }
0x4a: {  	[sflag:s13] =	ssyncset.done $0x0  }
0x4b: {  	[sflag:s13] =	ssyncadd.s32 $0xFFFFFF80  }
0x4c: {  	v0 =	vld [tilespmem:$0x80]  }
0x4d: {  	v1 =	vld [tilespmem:$0xD0]  }
0x4e: {  	v3 =	vld [tilespmem:$0xB0]  }
0x4f: {  	v4 =	vld [tilespmem:$0xA0]  }
0x50: {  	v2 =	vld [tilespmem:$0x50]  }
0x51: {  	v5 =	vld [tilespmem:$0x30]  }
0x52: {  	v6 =	vld [tilespmem:$0x20]  }
0x53: {  	v7 =	vld [tilespmem:$0xF0]  }
0x54: {  	v8 =	vld [tilespmem:$0x70]  }
0x55: {  	v9 =	vld [tilespmem:$0x10];
	v2 =	vshll.u32 v2, $0x3  }
.Ltmp0:
0x56: {  	v5 =	vshll.u32 v5, $0x3;
	v10 =	vadd.s32 v1, v2;
	v1 =	vld [tilespmem:$0x60];
	(pc) =	sbr.rel @p0 .LBB2_2-.Ltmp0, $4  }
0x57: {  	v2 =	vld [tilespmem:$0x0];
	v6 =	vshll.u32 v6, $0x3;
	v3 =	vadd.s32 v3, v5;
	[tilespmem:$0x1D0] =	vst v10  }
0x58: {  	v5 =	vadd.s32 v4, v6;
	[tilespmem:$0x1B0] =	vst v3;
	v4 =	vld [tilespmem:$0x40]  }
0x59: {  	[tilespmem:$0x1A0] =	vst v5;
	v3 =	vld [tilespmem:$0xC0];
	v8 =	vshll.u32 v8, $0x3  }
0x5a: {  	v5 =	vshll.u32 v9, $0x3;
	v6 =	vld [tilespmem:$0x90];
	v7 =	vadd.s32 v7, v8  }
0x5b: {  	v8 =	vld [tilespmem:$0xE0]  }
0x5c: {  	v2 =	vshll.u32 v2, $0x3  }
0x5d: {  	[tilespmem:$0x1F0] =	vst v7;
	v0 =	vadd.s32 v0, v2;
	v60 =	vshll.u32 v4, $0x3  }
0x5e: {  	[tilespmem:$0x180] =	vst v0;
	v61 =	vadd.s32 v3, v60  }
0x5f: {  	v63 =	vshll.u32 v1, $0x3;
	v62 =	vadd.s32 v6, v5;
	[tilespmem:$0x1C0] =	vst v61  }
0x60: {  	[tilespmem:$0x190] =	vst v62;
	v0 =	vadd.s32 v8, v63  }
0x61: {  	[tilespmem:$0x1E0] =	vst v0  }
0x62: {  	[tilespmem:s17], [sflag:$0x1] =	stream.indirect.gather [hbm4b:s4+s14], $0x80, s16, s14, $0xb8;
	[tilespmem:$0x17E00] =	vst v63  }
0x63: {  	_ =	swait.ge [sflag:s18], $0x4000  }
0x64: {  	[sflag:s18] =	ssyncset.done $0x0  }
0x65: {  	[sflag:s18] =	ssyncadd.s32 $0xFFFFC000  }
0x66: {  	[spmem:s1] =	stream.indirect.scatter.add.f32 [tilespmem:s17], [sflag:$0x2], $0x80, s15, s14, $0xb8;
	[tilespmem:$0x17E00] =	vst v63  }
0x67: {  	_ =	swait.ge [sflag:s13], $0x4000  }
0x68: {  	s19 =	sadd.s32 $0x1, s19;
	[sflag:s13] =	ssyncset.done $0x0  }
0x69: {  	p0 =	sne.s32 s19, s8;
	[sflag:s13] =	ssyncadd.s32 $0xFFFFC000  }
.Ltmp1:
0x6a: {  	[bflag:$0x0] =	sbarrier.arrive $0xFFFF;
	(pc) =	sbr.rel @p0 .LBB2_1-.Ltmp1, $4  }
0x6b: {  	[hbm:s7], [sflag:s6] =	dma.local [spmem:s12], $0x2780  }
0x6c: {  	_ =	swait.ge [sflag:s13], $0x2780  }
0x6d: {  	[sflag:s13] =	ssyncset.done $0x0  }
0x6e: {  	[sflag:s13] =	ssyncadd.s32 $0xFFFFD880  }
0x6f: {  	_ =	sfence.sel $0x180000  }
0x70: {  	[bflag:$0x0] =	sbarrier.arrive $0xFFFF  }
0x71: {  	p0 =	sne.s32 s2, $0x0;
	_ =	strace $0x90000047  }
0x72: {  	s0 =	sadd.s32 @!p0 $0x100000, s0;
	[bflag:$0x2] =	sbarrier.arrive $0xFFFF  }
0x73: {  	[sflag:s0] =	ssyncadd.tile.s32 @!p0 $0x1;
	_ =	shalt  }
.Lfunc_end2:
_tile_overlayer_lowered:
.L_overlay_start_2:
0x74: {  	(tag) =	ssettag $0x2  }
0x75: {  	s0 =	rddreg [dreg:$0x0];
	s2 =	stileid.u32  }
0x76: {  	s1 =	rddreg [dreg:$0x1];
	p0 =	sne.s32 s2, $0x0  }
0x77: {  	s3 =	rddreg [dreg:$0x2];
	[bflag:$0x3] =	sbarrier.arrive $0xFFFF;
	s2 =	simm.s32 @!p0 $0x1C02  }
0x78: {  	[timem:s3], [sflag:s2] =	dma.local @!p0 [hbm:s0], s1  }
0x79: {  	s0 =	simm.s32 @!p0 $0x2  }
0x7a: {  	_ =	swait.ge @!p0 [sflag:s0], s1  }
0x7b: {  	s1 =	ssub.s32 @!p0 $0x0, s1;
	[sflag:s0] =	ssyncset.done @!p0 $0x0  }
0x7c: {  	[sflag:s0] =	ssyncadd.s32 @!p0 s1  }
0x7d: {  	[bflag:$0x3] =	sbarrier.arrive $0xFFFF  }
0x7e: {  	_ =	shalt  }

</sc_bundles>
